<compile_context>
chip_gen: v7x
topology: tpu7x:2x2x1
jax: 0.10.2.dev20260603
libtpu: 0.0.44.dev20260713+nightly
codegen_flags: <defaults>
</compile_context>

<pallas_src>
import jax
import jax.numpy as jnp
from jax import lax
from jax.experimental import pallas as pl
from jax.experimental.pallas import tpu as pltpu

DIM = 256
K = 8192
N = 8192

TBLK = 512
NTB = N // TBLK


def _final_body(f_ref, q_ref, ind_ref, qout_ref, diff_ref, ppl_ref,
                sse_s, cnt_s):
    i = pl.program_id(0)
    f = f_ref[...]
    qv = q_ref[...]
    qout_ref[...] = f + (qv - f)

    @pl.when(i == 0)
    def _():
        sse_s[0] = 0.0
        cnt_s[...] = jnp.zeros((K // 128, 128), jnp.float32)

    sse_s[0] += jnp.sum((qv - f) ** 2)

    ind = ind_ref[...]
    hi = ind >> 7
    lo = ind & 127
    a = (hi == lax.broadcasted_iota(jnp.int32, (TBLK, K // 128), 1)
         ).astype(jnp.bfloat16)
    b = (lo == lax.broadcasted_iota(jnp.int32, (TBLK, 128), 1)
         ).astype(jnp.bfloat16)
    cnt_s[...] += lax.dot_general(a, b, (((0,), (0,)), ((), ())),
                                  preferred_element_type=jnp.float32)

    @pl.when(i == NTB - 1)
    def _():
        diff_ref[0, 0] = sse_s[0] * (1.0 / float(N * DIM))
        p = cnt_s[...] * (1.0 / float(N))
        ent = jnp.sum(p * jnp.log(p + 1e-10))
        ppl_ref[0, 0] = jnp.exp(-ent)


def _final_call(flatten, qrows, ind2):
    return pl.pallas_call(
        _final_body,
        grid=(NTB,),
        in_specs=[
            pl.BlockSpec((TBLK, DIM), lambda i: (i, 0)),
            pl.BlockSpec((TBLK, DIM), lambda i: (i, 0)),
            pl.BlockSpec((TBLK, 1), lambda i: (i, 0)),
        ],
        out_specs=[
            pl.BlockSpec((TBLK, DIM), lambda i: (i, 0)),
            pl.BlockSpec(memory_space=pltpu.SMEM),
            pl.BlockSpec(memory_space=pltpu.SMEM),
        ],
        out_shape=[
            jax.ShapeDtypeStruct((N, DIM), jnp.float32),
            jax.ShapeDtypeStruct((1, 1), jnp.float32),
            jax.ShapeDtypeStruct((1, 1), jnp.float32),
        ],
        scratch_shapes=[
            pltpu.SMEM((1,), jnp.float32),
            pltpu.VMEM((K // 128, 128), jnp.float32),
        ],
        compiler_params=pltpu.CompilerParams(
            dimension_semantics=("arbitrary",)),
    )(flatten, qrows, ind2)


def kernel(x, embed):
    bs = x.shape[0]
    xt = jnp.transpose(x, (0, 2, 3, 1))
    flatten = xt.reshape(-1, DIM)
    embed_flat = embed.reshape(-1, K)
    dist = (flatten ** 2).sum(axis=1, keepdims=True) \
        - 2.0 * (flatten @ embed_flat) \
        + (embed_flat ** 2).sum(axis=0, keepdims=True)
    ind = jnp.argmax(-dist, axis=1)
    quantize = embed_flat.T[ind]

    qflat, diff, ppl = _final_call(flatten, quantize, ind.reshape(N, 1))

    q = qflat.reshape(bs, 32, 32, DIM).transpose(0, 3, 1, 2)
    return (q, diff[0, 0], ind.reshape(bs, 32, 32), ppl[0, 0])

# --- scband reference (transcript-rebuilt; emitter-appended) ---
"""Pipeline reference for scband-quantize-13340168421720 (READ-ONLY COPY).

The authoritative reference and input builder live on the scoring server;
editing this copy changes nothing except your own understanding.
"""

import jax, jax.numpy as jnp
import numpy as np

DIM = 256
K = 8192
SIZE = (1, 1)

def setup_inputs(seed: int = 0) -> dict:
    key = jax.random.key(seed)
    k1, k2 = jax.random.split(key)
    x = jax.random.normal(k1, (8, DIM, 32, 32), dtype=jnp.float32)
    embed = jax.random.uniform(k2, (SIZE[0], SIZE[1], DIM, K), dtype=jnp.float32, minval=-0.02, maxval=0.02)
    return {"x": x, "embed": embed}

def reference(x, embed):
    bs = x.shape[0]
    xt = jnp.transpose(x, (0, 2, 3, 1))  # [bs, hH, hW, C]
    hH, hW, C = xt.shape[1], xt.shape[2], xt.shape[3]
    real_hH = hH // SIZE[0]
    real_hW = hW // SIZE[1]
    xr = xt.reshape(bs, real_hH, SIZE[0], real_hW, SIZE[1], C)
    xr = jnp.swapaxes(xr, 2, 3)  # [bs, real_hH, real_hW, s0, s1, C]
    flatten = xr.reshape(-1, SIZE[0] * SIZE[1] * DIM)
    embed_flat = embed.reshape(-1, K)  # [s0*s1*dim, K]
    dist = (flatten ** 2).sum(axis=1, keepdims=True) - 2.0 * (flatten @ embed_flat) + (embed_flat ** 2).sum(axis=0, keepdims=True)
    embed_ind = jnp.argmax(-dist, axis=1)
    embed_ind = embed_ind.reshape(bs, real_hH, real_hW)
    codebook = jnp.transpose(embed, (3, 0, 1, 2))  # [K, s0, s1, dim]
    quantize = codebook[embed_ind]  # [bs, real_hH, real_hW, s0, s1, dim]
    onehot = jax.nn.one_hot(embed_ind.reshape(-1), K, dtype=jnp.float32)
    avg_probs = onehot.mean(axis=0)
    perplexity = jnp.exp(-jnp.sum(avg_probs * jnp.log(avg_probs + 1e-10)))
    diff = jnp.mean((jax.lax.stop_gradient(quantize) - xr) ** 2)
    q = xr + jax.lax.stop_gradient(quantize - xr)
    q = jnp.swapaxes(q, 3, 2).reshape(bs, hH, -1, C)
    q = jnp.transpose(q, (0, 3, 1, 2))
    return (q, diff, embed_ind, perplexity)

if __name__ == "__main__":
    import jax
    _d = setup_inputs()
    print(jax.jit(kernel)(*tuple(_d.values())))

</pallas_src>

<mosaic_0001>
module attributes {stable_mosaic.version = 14 : i64} {
  func.func @_final_body(%arg0: i32, %arg1: memref<512x256xf32, #tpu.memory_space<vmem>>, %arg2: memref<512x256xf32, #tpu.memory_space<vmem>>, %arg3: memref<512x1xi32, #tpu.memory_space<vmem>>, %arg4: memref<512x256xf32, #tpu.memory_space<vmem>>, %arg5: memref<1x1xf32, #tpu.memory_space<smem>>, %arg6: memref<1x1xf32, #tpu.memory_space<smem>>, %arg7: memref<1xf32, #tpu.memory_space<smem>>, %arg8: memref<64x128xf32, #tpu.memory_space<vmem>>) attributes {dimension_semantics = [#tpu.dimension_semantics<arbitrary>], iteration_bounds = array<i64: 16>, scalar_prefetch = 0 : i64, scratch_operands = 2 : i64, tpu.core_type = #tpu.core_type<tc>, window_params = [{transform_indices = @transform_0, window_bounds = array<i64: 512, 256>}, {transform_indices = @transform_1, window_bounds = array<i64: 512, 256>}, {transform_indices = @transform_2, window_bounds = array<i64: 512, 1>}, {transform_indices = @transform_3, window_bounds = array<i64: 512, 256>}, {transform_indices = @transform_4, window_bounds = array<i64: 1, 1>}, {transform_indices = @transform_5, window_bounds = array<i64: 1, 1>}]} {
    %get3A = arith.constant 0 : index
    %get3A_0 = arith.constant 0 : index
    %get3A_1 = vector.load %arg1[%get3A, %get3A_0] : memref<512x256xf32, #tpu.memory_space<vmem>>, vector<512x256xf32>
    %get3A_2 = arith.constant 0 : index
    %get3A_3 = arith.constant 0 : index
    %get3A_4 = vector.load %arg2[%get3A_2, %get3A_3] : memref<512x256xf32, #tpu.memory_space<vmem>>, vector<512x256xf32>
    %sub3A = arith.subf %get3A_4, %get3A_1 : vector<512x256xf32>
    %add3A = arith.addf %get3A_1, %sub3A : vector<512x256xf32>
    %swap3A = arith.constant 0 : index
    %swap3A_5 = arith.constant 0 : index
    %swap3A_6 = vector.load %arg4[%swap3A, %swap3A_5] : memref<512x256xf32, #tpu.memory_space<vmem>>, vector<512x256xf32>
    tpu.vector_store %arg4[%swap3A, %swap3A_5], %add3A {strides = array<i32>} : memref<512x256xf32, #tpu.memory_space<vmem>>, vector<512x256xf32>,
    %eq3A = arith.constant 0 : i32
    %eq3A_7 = arith.cmpi eq, %arg0, %eq3A : i32
    %convert_element_type3A = arith.extui %eq3A_7 : i1 to i32
    %cond3A = arith.constant 0 : i32
    %cond3A_8 = arith.cmpi ne, %convert_element_type3A, %cond3A : i32
    scf.if %cond3A_8 {
      %swap3A_50 = arith.constant 0.000000e+00 : f32
      %swap3A_51 = arith.constant 0 : index
      %swap3A_52 = memref.load %arg7[%swap3A_51] : memref<1xf32, #tpu.memory_space<smem>>
      memref.store %swap3A_50, %arg7[%swap3A_51] : memref<1xf32, #tpu.memory_space<smem>>
      %broadcast_in_dim3A = arith.constant 0.000000e+00 : f32
      %broadcast_in_dim3A_53 = vector.broadcast %broadcast_in_dim3A : f32 to vector<64x128xf32>
      %swap3A_54 = arith.constant 0 : index
      %swap3A_55 = arith.constant 0 : index
      %swap3A_56 = vector.load %arg8[%swap3A_54, %swap3A_55] : memref<64x128xf32, #tpu.memory_space<vmem>>, vector<64x128xf32>
      tpu.vector_store %arg8[%swap3A_54, %swap3A_55], %broadcast_in_dim3A_53 {strides = array<i32>} : memref<64x128xf32, #tpu.memory_space<vmem>>, vector<64x128xf32>,
    } else {
    }
    %get3A_9 = arith.constant 0 : index
    %get3A_10 = memref.load %arg7[%get3A_9] : memref<1xf32, #tpu.memory_space<smem>>
    %sub3A_11 = arith.subf %get3A_4, %get3A_1 : vector<512x256xf32>
    %integer_pow3A = arith.mulf %sub3A_11, %sub3A_11 : vector<512x256xf32>
    %reduce_sum3A = vector.shape_cast %integer_pow3A : vector<512x256xf32> to vector<1x512x256xf32>
    %reduce_sum3A_12 = arith.constant dense<0.000000e+00> : vector<1xf32>
    %reduce_sum3A_13 = vector.multi_reduction <add>, %reduce_sum3A, %reduce_sum3A_12 [1, 2] : vector<1x512x256xf32> to vector<1xf32>
    %reduce_sum3A_14 = vector.shape_cast %reduce_sum3A_13 : vector<1xf32> to vector<1x1x1xf32>
    %reduce_sum3A_15 = vector.extract %reduce_sum3A_14[0, 0, 0] : f32 from vector<1x1x1xf32>
    %add3A_16 = arith.addf %get3A_10, %reduce_sum3A_15 : f32
    %swap3A_17 = arith.constant 0 : index
    %swap3A_18 = memref.load %arg7[%swap3A_17] : memref<1xf32, #tpu.memory_space<smem>>
    memref.store %add3A_16, %arg7[%swap3A_17] : memref<1xf32, #tpu.memory_space<smem>>
    %get3A_19 = arith.constant 0 : index
    %get3A_20 = arith.constant 0 : index
    %get3A_21 = vector.load %arg3[%get3A_19, %get3A_20] : memref<512x1xi32, #tpu.memory_space<vmem>>, vector<512x1xi32>
    %shift_right_arithmetic3A = arith.constant 7 : i32
    %shift_right_arithmetic3A_22 = vector.broadcast %shift_right_arithmetic3A : i32 to vector<512x1xi32>
    %shift_right_arithmetic3A_23 = arith.shrsi %get3A_21, %shift_right_arithmetic3A_22 : vector<512x1xi32>
    %and3A = arith.constant 127 : i32
    %and3A_24 = vector.broadcast %and3A : i32 to vector<512x1xi32>
    %and3A_25 = arith.andi %get3A_21, %and3A_24 : vector<512x1xi32>
    %iota3A = tpu.iota {dimensions = array<i32: 1>} : vector<512x64xi32>
    %eq3A_26 = vector.broadcast %shift_right_arithmetic3A_23 : vector<512x1xi32> to vector<512x64xi32>
    %eq3A_27 = arith.cmpi eq, %eq3A_26, %iota3A : vector<512x64xi32>
    %convert_element_type3A_28 = arith.extui %eq3A_27 : vector<512x64xi1> to vector<512x64xi32>
    %convert_element_type3A_29 = arith.sitofp %convert_element_type3A_28 : vector<512x64xi32> to vector<512x64xf32>
    %convert_element_type3A_30 = arith.truncf %convert_element_type3A_29 : vector<512x64xf32> to vector<512x64xbf16>
    %iota3A_31 = tpu.iota {dimensions = array<i32: 1>} : vector<512x128xi32>
    %eq3A_32 = vector.broadcast %and3A_25 : vector<512x1xi32> to vector<512x128xi32>
    %eq3A_33 = arith.cmpi eq, %eq3A_32, %iota3A_31 : vector<512x128xi32>
    %convert_element_type3A_34 = arith.extui %eq3A_33 : vector<512x128xi1> to vector<512x128xi32>
    %convert_element_type3A_35 = arith.sitofp %convert_element_type3A_34 : vector<512x128xi32> to vector<512x128xf32>
    %convert_element_type3A_36 = arith.truncf %convert_element_type3A_35 : vector<512x128xf32> to vector<512x128xbf16>
    %get3A_37 = arith.constant 0 : index
    %get3A_38 = arith.constant 0 : index
    %get3A_39 = vector.load %arg8[%get3A_37, %get3A_38] : memref<64x128xf32, #tpu.memory_space<vmem>>, vector<64x128xf32>
    %dot_general3A = arith.constant dense<0.000000e+00> : vector<64x128xf32>
    %dot_general3A_40 = tpu.matmul %convert_element_type3A_30, %convert_element_type3A_36, %dot_general3A {dimension_numbers = #tpu.dot_dimension_numbers<[0], [0], [1], [1], [0, 1, 1, 1], [], []>, transpose_lhs_hint = false} : vector<512x64xbf16>, vector<512x128xbf16>, vector<64x128xf32> -> vector<64x128xf32>
    %add3A_41 = arith.addf %get3A_39, %dot_general3A_40 : vector<64x128xf32>
    %swap3A_42 = arith.constant 0 : index
    %swap3A_43 = arith.constant 0 : index
    %swap3A_44 = vector.load %arg8[%swap3A_42, %swap3A_43] : memref<64x128xf32, #tpu.memory_space<vmem>>, vector<64x128xf32>
    tpu.vector_store %arg8[%swap3A_42, %swap3A_43], %add3A_41 {strides = array<i32>} : memref<64x128xf32, #tpu.memory_space<vmem>>, vector<64x128xf32>,
    %eq3A_45 = arith.constant 15 : i32
    %eq3A_46 = arith.cmpi eq, %arg0, %eq3A_45 : i32
    %convert_element_type3A_47 = arith.extui %eq3A_46 : i1 to i32
    %cond3A_48 = arith.constant 0 : i32
    %cond3A_49 = arith.cmpi ne, %convert_element_type3A_47, %cond3A_48 : i32
    scf.if %cond3A_49 {
      %get3A_50 = arith.constant 0 : index
      %get3A_51 = memref.load %arg7[%get3A_50] : memref<1xf32, #tpu.memory_space<smem>>
      %mul3A = arith.constant 4.76837158E-7 : f32
      %mul3A_52 = arith.mulf %get3A_51, %mul3A : f32
      %swap3A_53 = arith.constant 0 : index
      %swap3A_54 = arith.constant 0 : index
      %swap3A_55 = memref.load %arg5[%swap3A_53, %swap3A_54] : memref<1x1xf32, #tpu.memory_space<smem>>
      memref.store %mul3A_52, %arg5[%swap3A_53, %swap3A_54] : memref<1x1xf32, #tpu.memory_space<smem>>
      %get3A_56 = arith.constant 0 : index
      %get3A_57 = arith.constant 0 : index
      %get3A_58 = vector.load %arg8[%get3A_56, %get3A_57] : memref<64x128xf32, #tpu.memory_space<vmem>>, vector<64x128xf32>
      %mul3A_59 = arith.constant 1.22070313E-4 : f32
      %mul3A_60 = vector.broadcast %mul3A_59 : f32 to vector<64x128xf32>
      %mul3A_61 = arith.mulf %get3A_58, %mul3A_60 : vector<64x128xf32>
      %add3A_62 = arith.constant 1.000000e-10 : f32
      %add3A_63 = vector.broadcast %add3A_62 : f32 to vector<64x128xf32>
      %add3A_64 = arith.addf %mul3A_61, %add3A_63 : vector<64x128xf32>
      %log3A = math.log %add3A_64 : vector<64x128xf32>
      %mul3A_65 = arith.mulf %mul3A_61, %log3A : vector<64x128xf32>
      %reduce_sum3A_66 = vector.shape_cast %mul3A_65 : vector<64x128xf32> to vector<1x64x128xf32>
      %reduce_sum3A_67 = arith.constant dense<0.000000e+00> : vector<1xf32>
      %reduce_sum3A_68 = vector.multi_reduction <add>, %reduce_sum3A_66, %reduce_sum3A_67 [1, 2] : vector<1x64x128xf32> to vector<1xf32>
      %reduce_sum3A_69 = vector.shape_cast %reduce_sum3A_68 : vector<1xf32> to vector<1x1x1xf32>
      %reduce_sum3A_70 = vector.extract %reduce_sum3A_69[0, 0, 0] : f32 from vector<1x1x1xf32>
      %neg3A = arith.constant 0.000000e+00 : f32
      %neg3A_71 = arith.subf %neg3A, %reduce_sum3A_70 : f32
      %exp3A = math.exp %neg3A_71 : f32
      %swap3A_72 = arith.constant 0 : index
      %swap3A_73 = arith.constant 0 : index
      %swap3A_74 = memref.load %arg6[%swap3A_72, %swap3A_73] : memref<1x1xf32, #tpu.memory_space<smem>>
      memref.store %exp3A, %arg6[%swap3A_72, %swap3A_73] : memref<1x1xf32, #tpu.memory_space<smem>>
    } else {
    }
    return
  }
  func.func @transform_0(%arg0: i32) -> (i32, i32) {
    %c0_i32 = arith.constant 0 : i32
    %c0_i32_0 = arith.constant 0 : i32
    return %arg0, %c0_i32 : i32, i32
  }
  func.func @transform_1(%arg0: i32) -> (i32, i32) {
    %c0_i32 = arith.constant 0 : i32
    %c0_i32_0 = arith.constant 0 : i32
    return %arg0, %c0_i32 : i32, i32
  }
  func.func @transform_2(%arg0: i32) -> (i32, i32) {
    %c0_i32 = arith.constant 0 : i32
    %c0_i32_0 = arith.constant 0 : i32
    return %arg0, %c0_i32 : i32, i32
  }
  func.func @transform_3(%arg0: i32) -> (i32, i32) {
    %c0_i32 = arith.constant 0 : i32
    %c0_i32_0 = arith.constant 0 : i32
    return %arg0, %c0_i32 : i32, i32
  }
  func.func @transform_4(%arg0: i32) -> (i32, i32) {
    %c0_i32 = arith.constant 0 : i32
    %c0_i32_0 = arith.constant 0 : i32
    %c0_i32_1 = arith.constant 0 : i32
    return %c0_i32, %c0_i32_0 : i32, i32
  }
  func.func @transform_5(%arg0: i32) -> (i32, i32) {
    %c0_i32 = arith.constant 0 : i32
    %c0_i32_0 = arith.constant 0 : i32
    %c0_i32_1 = arith.constant 0 : i32
    return %c0_i32, %c0_i32_0 : i32, i32
  }
}

</mosaic_0001>

<sc_bundles>
// kernel: gather_offload_async_start
scs
__scs_entry_jumppad:
0x0: {  	(pc) =	sbr.rel $0x88, $3  }
0x1: {  	(tag) =	ssettag $0x0;
	lr =	simm.s32 $0x1  }
0x2: {  	[smem:$0x3F9F] =	sst lr;
	_ =	strace $0xD0000000  }
0x3: {  	_ = 	snop  }
0x4: {  	_ = 	snop  }
0x5: {  	_ = 	snop  }
0x6: {  	_ = 	snop  }
0x7: {  	_ = 	snop  }
__scs_overlays_trampoline_lowered:
0x8: {  	[smem:$0x3FAE] =	sst s0  }
0x9: {  	[smem:$0x3FAF] =	sst s1  }
0xa: {  	[smem:$0x3FB0] =	sst s2  }
0xb: {  	[smem:$0x3FB1] =	sst s3  }
0xc: {  	[smem:$0x3FB2] =	sst s4  }
0xd: {  	[smem:$0x3FB3] =	sst s5  }
0xe: {  	[smem:$0x3FB4] =	sst s6  }
0xf: {  	[smem:$0x3FB5] =	sst s7  }
0x10: {  	[smem:$0x3FB6] =	sst s8  }
0x11: {  	[smem:$0x3FB7] =	sst s9;
	s0 =	simm.s32 @!p0 $0x0  }
0x12: {  	s1 =	sld [smem:$0x3F9D];
	s0 =	simm.s32 @p0 $0x1  }
0x13: {  	[smem:$0x3FB8] =	sst s0;
	s0 =	simm.s32 @!p1 $0x0  }
0x14: {  	s2 =	sld [smem:$0x3F9C];
	s0 =	simm.s32 @p1 $0x1  }
0x15: {  	[smem:$0x3FB9] =	sst s0;
	s0 =	simm.s32 @!p2 $0x0  }
0x16: {  	s3 =	sld [smem:$0x3FDB];
	s0 =	simm.s32 @p2 $0x1  }
0x17: {  	s4 =	simm.s32 $0x1BF5;
	[smem:$0x3FBB] =	sst s0  }
0x18: {  	s0 =	sld [smem:$0x3F9E];
	_ =	swait.ge [sflag:s4], $0x0  }
0x19: {  	s7 =	sld [smem:$0x3F9F]  }
0x1a: {  	s8 =	sadd.s32 $0xFFFFE003, lr  }
0x1b: {  	s9 =	sadd.s32 $0xFFFFFEF7, lr;
	s5 =	simm.s32 $0xFFFFFFFF;
	p2 =	slt.u32 s8, $0xFFFFF086  }
0x1c: {  	p1 =	slt.u32 s9, $0xF7A;
	s5 =	simm.s32 @!p2 $0x0  }
0x1d: {  	s5 =	simm.s32 @p1 $0x1;
	p0 =	seq.s32 s7, s2  }
0x1e: {  	s7 =	smul.u32 @!p0 $0xF7A, s2;
	p2 =	seq.s32 @!p0 s5, $0x0  }
0x1f: {  	s9 =	smul.u32 $0xF7A, s1;
	s8 =	simm.s32 @!p0 $0x1BF5;
	p2 =	por !p2, p0  }
0x20: {  	[sflag:s8] =	ssyncset.s32 @!p0 $0xFFFFF086;
	s6 =	sadd.s32 @!p0 s3, s7;
	s7 =	simm.s32 @!p0 $0x108  }
0x21: {  	s3 =	sadd.s32 s3, s9;
	s6 =	sadd.s32 @!p0 $0x88, s6;
	s7 =	simm.s32 @p2 $0x1082  }
0x22: {  	[simem:s7], [sflag:s8] =	dma.local @!p0 [hbm:s6], $0xF7A  }
0x23: {  	s9 =	sor.u32 $0xD0000000, s2;
	s6 =	simm.s32 $0x108;
	_ =	swait.ge @!p0 [sflag:s8], $0x0  }
0x24: {  	s3 =	sadd.s32 $0x88, s3;
	s6 =	simm.s32 @!p1 $0x1082;
	[sflag:s4] =	ssyncset.s32 $0xFFFFF086  }
0x25: {  	[simem:s6], [sflag:s4] =	dma.local [hbm:s3], $0xF7A  }
0x26: {  	[smem:$0x3F9F] =	sst s1;
	(tag) =	ssettag s2;
	_ =	strace s9  }
0x27: {  	s1 =	sld [smem:$0x3FAF]  }
0x28: {  	s2 =	sld [smem:$0x3FB0]  }
0x29: {  	s4 =	sld [smem:$0x3FB2]  }
0x2a: {  	p0 =	seq.s32 s5, $0x0;
	s5 =	sld [smem:$0x3FB3]  }
0x2b: {  	s6 =	sld [smem:$0x3FB4]  }
0x2c: {  	s7 =	sld [smem:$0x3FB5]  }
0x2d: {  	s3 =	simm.s32 $0x108;
	s8 =	sld [smem:$0x3FB6]  }
0x2e: {  	s3 =	simm.s32 @!p0 $0x1082;
	s9 =	sld [smem:$0x3FB7]  }
0x2f: {  	lr =	sadd.s32 s0, s3;
	s0 =	sld [smem:$0x3FAE]  }
0x30: {  	s3 =	sld [smem:$0x3FB1]  }
0x31: {  	[smem:$0x3FBA] =	sst s10  }
0x32: {  	s10 =	sld [smem:$0x3FB8];
	_ =	sdelay $0x3  }
0x33: {  	p0 =	seq.s32 s10, $0x1;
	s10 =	sld [smem:$0x3FBA];
	_ =	sdelay $0x3  }
0x34: {  	[smem:$0x3FBA] =	sst s10  }
0x35: {  	s10 =	sld [smem:$0x3FB9];
	_ =	sdelay $0x3  }
0x36: {  	p1 =	seq.s32 s10, $0x1;
	s10 =	sld [smem:$0x3FBA];
	_ =	sdelay $0x3  }
0x37: {  	[smem:$0x3FBA] =	sst s10  }
0x38: {  	s10 =	sld [smem:$0x3FBB]  }
0x39: {  	_ = 	snop;
	(pc) =	sbr.ind lr, $3  }
0x3a: {  	_ = 	snop  }
0x3b: {  	_ = 	snop  }
0x3c: {  	p2 =	seq.s32 s10, $0x1;
	s10 =	sld [smem:$0x3FBA]  }
0x3d: {  	_ =	shalt  }
0x3e: {  	_ =	shalt  }
0x3f: {  	_ =	shalt  }
0x40: {  	_ =	shalt  }
0x41: {  	_ =	shalt  }
0x42: {  	_ =	shalt  }
0x43: {  	_ =	shalt  }
0x44: {  	_ =	shalt  }
0x45: {  	_ =	shalt  }
0x46: {  	_ =	shalt  }
0x47: {  	_ =	shalt  }
0x48: {  	_ =	shalt  }
0x49: {  	_ =	shalt  }
0x4a: {  	_ =	shalt  }
0x4b: {  	_ =	shalt  }
0x4c: {  	_ =	shalt  }
0x4d: {  	_ =	shalt  }
0x4e: {  	_ =	shalt  }
0x4f: {  	_ =	shalt  }
0x50: {  	_ =	shalt  }
0x51: {  	_ =	shalt  }
0x52: {  	_ =	shalt  }
0x53: {  	_ =	shalt  }
0x54: {  	_ =	shalt  }
0x55: {  	_ =	shalt  }
0x56: {  	_ =	shalt  }
0x57: {  	_ =	shalt  }
0x58: {  	_ =	shalt  }
0x59: {  	_ =	shalt  }
0x5a: {  	_ =	shalt  }
0x5b: {  	_ =	shalt  }
0x5c: {  	_ =	shalt  }
0x5d: {  	_ =	shalt  }
0x5e: {  	_ =	shalt  }
0x5f: {  	_ =	shalt  }
0x60: {  	_ =	shalt  }
0x61: {  	_ =	shalt  }
0x62: {  	_ =	shalt  }
0x63: {  	_ =	shalt  }
0x64: {  	_ =	shalt  }
0x65: {  	_ =	shalt  }
0x66: {  	_ =	shalt  }
0x67: {  	_ =	shalt  }
0x68: {  	_ =	shalt  }
0x69: {  	_ =	shalt  }
0x6a: {  	_ =	shalt  }
0x6b: {  	_ =	shalt  }
0x6c: {  	_ =	shalt  }
0x6d: {  	_ =	shalt  }
0x6e: {  	_ =	shalt  }
0x6f: {  	_ =	shalt  }
0x70: {  	_ =	shalt  }
0x71: {  	_ =	shalt  }
0x72: {  	_ =	shalt  }
0x73: {  	_ =	shalt  }
0x74: {  	_ =	shalt  }
0x75: {  	_ =	shalt  }
0x76: {  	_ =	shalt  }
0x77: {  	_ =	shalt  }
0x78: {  	_ =	shalt  }
0x79: {  	_ =	shalt  }
0x7a: {  	_ =	shalt  }
0x7b: {  	_ =	shalt  }
0x7c: {  	_ =	shalt  }
0x7d: {  	_ =	shalt  }
0x7e: {  	_ =	shalt  }
0x7f: {  	_ =	shalt  }
0x80: {  	_ =	shalt  }
0x81: {  	_ =	shalt  }
0x82: {  	_ =	shalt  }
0x83: {  	_ =	shalt  }
0x84: {  	_ =	shalt  }
0x85: {  	_ =	shalt  }
0x86: {  	_ =	shalt  }
0x87: {  	_ =	shalt  }
.Lfunc_end0:
.L_simem_size_0:
called_computation_lowered:
.L_overlay_start_0:
0x88: {  	s2 =	sld [smem:$0x3FD9]  }
0x89: {  	s3 =	sld [smem:$0x3FFE];
	_ =	sdelay $0x1  }
0x8a: {  	s1 =	srdreg.scid  }
0x8b: {  	s0 =	sand.u32 $0x1, s1  }
0x8c: {  	s14 =	sshll.u32 s0, $0xA;
	s2 =	sadd.s32 s3, s2  }
0x8d: {  	s2 =	sadd.s32 s2, s14  }
0x8e: {  	[smem:$0x3FC6] =	sst s2  }
0x8f: {  	_ = 	snop  }
0x90: {  	s2 =	sld [smem:$0x3FD0];
	_ =	sdelay $0x2  }
0x91: {  	s15 =	simm.s32 $0xA;
	s4 =	simm.s32 $0x10  }
0x92: {  	[smem:s4], [sflag:s15] =	dma.local [hbm:s2], $0x1  }
0x93: {  	_ =	swait.eq [sflag:s15], $0x1  }
0x94: {  	[sflag:s15] =	ssyncset.done $0x0  }
0x95: {  	[sflag:s15] =	ssyncadd.s32 $0xFFFFFFFF  }
0x96: {  	s16 =	sld [smem:$0x10];
	(tm) =	ssettm $0x1  }
0x97: {  	s17 =	sld [smem:$0x3FFB];
	_ =	sdelay $0x3  }
0x98: {  	_ =	strace s17  }
0x99: {  	s3 =	sld [smem:$0x3FFC];
	_ =	sdelay $0x3  }
0x9a: {  	_ =	strace s3  }
0x9b: {  	s3 =	sld [smem:$0x3FFD];
	_ =	sdelay $0x3  }
0x9c: {  	_ =	strace s3  }
0x9d: {  	_ =	strace $0x8FFFFFFF  }
0x9e: {  	s18 =	sld [smem:$0x3FDB];
	_ =	sdelay $0x1  }
0x9f: {  	s19 =	simm.s32 $_scs_section_size  }
0xa0: {  	s5 =	simm.s32 $_size__tile_overlayer_lowered;
	s6 =	simm.s32 $_tile_overlayer_lowered  }
0xa1: {  	s22 =	simm.s32 $0x1BFF;
	s21 =	sshll.u32 s6, $0x1;
	s3 =	sadd.s32 s19, s18  }
0xa2: {  	s7 =	simm.s32 $0x0;
	s20 =	sshll.u32 s5, $0x1;
	s5 =	sadd.s32 s21, s3  }
0xa3: {  	[timem:s7], [sflag:s22] =	dma.local [hbm:s5], s20  }
0xa4: {  	_ =	swait.ge [sflag:s22], s20  }
0xa5: {  	s4 =	ssub.s32 $0x0, s20;
	[sflag:s22] =	ssyncset.done $0x0  }
0xa6: {  	[sflag:s22] =	ssyncadd.s32 s4;
	_ =	sdelay $0x1  }
0xa7: {  	s23 =	simm.s32 $0x1B8B  }
0xa8: {  	_ =	swait.ge [sflag:s23], $0x1  }
0xa9: {  	[sflag:s23] =	ssyncset.done $0x0  }
0xaa: {  	s25 =	simm.s32 $0x1B8E;
	s24 =	sld [smem:$0x3FFE];
	[sflag:s23] =	ssyncadd.s32 $0xFFFFFFFF  }
0xab: {  	s26 =	simm.s32 $execute0_lowered;
	[smem:$0x3FD2] =	sst s25  }
0xac: {  	s5 =	sshll.u32 s26, $0x1;
	_ =	strace $0x80000046;
	[dreg:$0x1] =	wrdreg $0xFFFFFFFF  }
0xad: {  	s28 =	simm.s32 $_size_execute0_lowered;
	s3 =	sadd.s32 s3, s5;
	[dreg:$0x0] =	wrdreg $0x0  }
0xae: {  	s5 =	sshll.u32 s28, $0x1;
	[dreg:$0x2] =	wrdreg s3  }
0xaf: {  	[dreg:$0x3] =	wrdreg s5  }
0xb0: {  	[dreg:$0x4] =	wrdreg $0xC0  }
0xb1: {  	_ =	task [dreg:s7], $0x5FFFF  }
0xb2: {  	[dreg:$0x1] =	wrdreg $0xFFFFFFFF  }
0xb3: {  	[dreg:$0x0] =	wrdreg $0x60  }
0xb4: {  	[dreg:$0x2] =	wrdreg s16  }
0xb5: {  	[dreg:$0x3] =	wrdreg s24  }
0xb6: {  	[dreg:$0x4] =	wrdreg $0x9  }
0xb7: {  	_ =	task.clear_ibuf [dreg:s7], $0x5FFFF;
	_ =	strace $0x90000046  }
0xb8: {  	s29 =	simm.s32 $0x9;
	_ =	strace $0x80000048  }
0xb9: {  	_ =	swait.ge [sflag:s29], $0x1  }
0xba: {  	[sflag:s29] =	ssyncadd.s32 $0xFFFFFFFF  }
0xbb: {  	_ =	strace $0x90000048  }
0xbc: {  	_ =	sfence  }
0xbd: {  	s30 =	sld [smem:$0x0];
	_ =	sdelay $0x2  }
0xbe: {  	s31 =	sshll.u32 s1, $0xD;
	s1 =	sshrl.u32 s1, $0x2  }
0xbf: {  	s3 =	sand.u32 $0x4000, s31;
	s1 =	sadd.s32 s1, s30  }
0xc0: {  	s0 =	sor.u32 s3, s0;
	s1 =	sshll.u32 s1, $0x11  }
0xc1: {  	s0 =	sor.u32 s1, s0  }
0xc2: {  	s0 =	sadd.s32 $0x8F2B, s0  }
0xc3: {  	[sflag:s0] =	ssyncadd.remote.s32 $0x1  }
0xc4: {  	_ =	sfence.sel $0xFFFF  }
0xc5: {  	[dreg:$0x0] =	wrdreg $0xFFFFFFFF;
	(pc) =	sbr.abs _section_cstart, $3  }
0xc6: {  	[dreg:$0x1] =	wrdreg $0xFFFFFFFF  }
0xc7: {  	_ =	task.clear_ibuf [dreg:s7], $0x2FFFF;
	_ =	strace $0x9FFFFFFF  }
0xc8: {  	(tm) =	ssettm $0x7FFFFFFF  }
0xc9: {  	_ =	shalt  }
tec
execute0_lowered:
.L_overlay_start_1:
0x0: {  	(tag) =	ssettag $0x1  }
0x1: {  	s2 =	rddreg [dreg:$0x0]  }
0x2: {  	s3 =	rddreg [dreg:$0x1]  }
0x3: {  	s0 =	rddreg [dreg:$0x2];
	s1 =	srdreg.scid;
	_ =	strace $0x80000047  }
0x4: {  	s4 =	simm.s32 $0x1;
	s9 =	simm.s32 $0x3;
	s5 =	sshll.u32 s1, $0x4  }
.Ltmp0:
0x5: {  	s1 =	stileid.u32;
	s5 =	sand.u32 $0x10, s5;
	(pc) =	sbr.rel .LBB2_1-.Ltmp0, $4  }
0x6: {  	s11 =	simm.s32 $0x0;
	p0 =	por $0x0, $0x0;
	s6 =	sor.u32 s1, s5  }
0x7: {  	[sflag:s4] =	ssyncpa.u1 $0x0;
	s5 =	simm.s32 $0x2;
	s6 =	sshll.u32 s6, $0x8  }
0x8: {  	s7 =	sadd.s32 $0x400, s3;
	[sflag:s5] =	ssyncpa.u1 $0x0;
	s8 =	sadd.s32 $0x100, s6  }
0x9: {  	vm0 =	vmmov $0xff;
	vm1 =	vcmask $0x3F20;
	[sflag:s9] =	ssyncpa.u1 $0x0;
	s10 =	smov.u32 s6;
	s9 =	simm.s32 $0x0  }
.LBB2_8:
0xa: {  	[hbm:s15] =	stream.linear.scatter [tilespmem:s12], [sflag:$0x3], $0x800, $0x38;
	[tilespmem:$0x10100] =	vst v63  }
.LBB2_9:
0xb: {  	p1 =	slt.u32 s9, $0x2;
	s11 =	sadd.s32 $0x80, s10  }
0xc: {  	s13 =	smov.u32 s6;
	s9 =	sadd.s32 $0x1, s9;
	p2 =	slt.s32 s11, s8  }
0xd: {  	s13 =	smov.u32 @p2 s11;
	p2 =	sne.s32 s9, $0x4  }
.Ltmp1:
0xe: {  	_ = 	snop;
	(pc) =	sbr.rel @!p2 .LBB2_10-.Ltmp1, $4  }
0xf: {  	s12 =	simm.s32 @!p1 $0x3  }
0x10: {  	_ =	swait.ge @!p1 [sflag:s12], $0x8000  }
0x11: {  	p0 =	por !p0, !p0;
	[sflag:s12] =	ssyncset.done @!p1 $0x0  }
0x12: {  	s11 =	smov.u32 s10;
	s10 =	smov.u32 s13;
	[sflag:s12] =	ssyncadd.s32 @!p1 $0xFFFF8000  }
.LBB2_1:
0x13: {  	p1 =	sgt.u32 s9, $0x1  }
0x14: {  	s12 =	sshll.u32 @!p1 s9, $0x7;
	s13 =	sshrl.u32 @!p1 s10, $0x3  }
0x15: {  	s14 =	sand.u32 @!p1 $0x7, s10;
	s12 =	sxor.u32 @!p1 $0x80, s12;
	s13 =	sadd.s32 @!p1 s3, s13  }
0x16: {  	[tilespmem:s12], [sflag:$0x2] =	stream.linear.gather @!p1 [hbm4b:s13+s14], $0x80, $0x38;
	[tilespmem:$0x10100] =	vst v63  }
0x17: {  	p1 =	seq.s32 s9, $0x0  }
0x18: {  	p2 =	seq.s32 @!p1 s9, $0x3  }
0x19: {  	p1 =	por p1, p2  }
.Ltmp2:
0x1a: {  	_ = 	snop;
	(pc) =	sbr.rel @p1 .LBB2_9-.Ltmp2, $1  }
0x1b: {  	_ =	sdelay $0x3  }
0x1c: {  	s12 =	simm.s32 $0x1;
	_ =	swait.ge [sflag:s5], $0x80;
	s13 =	sand.u32 $0x1, s9  }
0x1d: {  	s15 =	simm.s32 $0x0;
	s12 =	simm.s32 @!p0 $0x0;
	[sflag:s5] =	ssyncset.done $0x0  }
0x1e: {  	s14 =	sshll.u32 s13, $0xF;
	s13 =	sshll.u32 s13, $0x7;
	s12 =	sshll.u32 s12, $0xF  }
0x1f: {  	[sflag:s5] =	ssyncadd.s32 $0xFFFFFF80;
	s14 =	sor.u32 $0x100, s14;
	s12 =	sor.u32 $0x100, s12  }
.LBB2_3:
0x20: {  	s16 =	sshll.u32 s15, $0x4  }
0x21: {  	s16 =	sand.u32 $0x3FFFFFF0, s16  }
0x22: {  	s16 =	sadd.s32 s16, s13  }
0x23: {  	v0 =	vld.msk [tilespmem:s16+$0x0 ss:$0x1], $0xffff;
	_ =	sdelay $0x4  }
0x24: {  	vm2 =	vgt.s32 v0, $0x0  }
0x25: {  	v0 =	vnsel vm2, $0x0, v0  }
0x26: {  	v0 =	vmin.u32 v0, $0x1FFF  }
0x27: {  	s31 =	sshll.u32 s15, $0xC;
	v1 =	vshll.u32 v0, $0x5;
	v0 =	vshll.u32 v0, $0x4  }
0x28: {  	s16 =	sand.u32 $0x3FFFF000, s31;
	v1 =	vand.u32 $0x3FF00, v1;
	v0 =	vand.u32 $0x70, v0  }
0x29: {  	p1 =	por $0x1, $0x1;
	s17 =	simm.s32 $0x0;
	s16 =	sadd.s32 s16, s14;
	v0 =	vor.u32 v0, v1  }
.LBB2_4:
0x2a: {  	_ =	sdelay $0x1  }
0x2b: {  	s17 =	sshra.s32 s17, $0x2;
	p2 =	por p1, p1  }
.Ltmp3:
0x2c: {  	s17 =	sadd.s32 s17, s16;
	(pc) =	sbr.rel @p2 .LBB2_4-.Ltmp3, $4  }
0x2d: {  	[tilespmem:s17], [sflag:$0x1] =	stream.indirect_vreg.gather [hbm:s2], $0x80, v0, vm0, $0x38;
	[tilespmem:$0x10100] =	vst v63  }
0x2e: {  	s17 =	sadd.s32 $0x800, s17  }
0x2f: {  	[tilespmem:s17], [sflag:$0x1] =	stream.indirect_vreg.gather [hbm:s2], $0x80, v0, vm1, $0x38;
	[tilespmem:$0x10100] =	vst v63  }
0x30: {  	p1 =	por $0x0, $0x0;
	v0 =	vadd.s32 $0x80, v0;
	s17 =	simm.s32 $0x1000  }
0x31: {  	s15 =	sadd.s32 $0x1, s15  }
0x32: {  	p1 =	sne.s32 s15, $0x8  }
.Ltmp4:
0x33: {  	_ = 	snop;
	(pc) =	sbr.rel @p1 .LBB2_3-.Ltmp4, $1  }
0x34: {  	_ =	sdelay $0x3  }
0x35: {  	s13 =	sshll.u32 s11, $0x5  }
0x36: {  	s31 =	sshll.u32 s11, $0x4;
	s13 =	sand.u32 $0xFFFFFF00, s13  }
0x37: {  	_ =	swait.ge [sflag:s4], $0x8000;
	s11 =	sand.u32 $0x70, s31;
	s13 =	sadd.s32 s13, s7  }
0x38: {  	s14 =	sadd.s32 $0x800, s12;
	[sflag:s4] =	ssyncset.done $0x0;
	s11 =	sadd.s32 s11, s13  }
0x39: {  	[sflag:s4] =	ssyncadd.s32 $0xFFFF8000;
	s13 =	simm.s32 $0x100;
	s15 =	sadd.s32 $0x0, s11  }
.LBB2_7:
0x3a: {  	[hbm:s15] =	stream.linear.scatter [tilespmem:s12], [sflag:$0x3], $0x800, $0x38;
	[tilespmem:$0x10100] =	vst v63  }
0x3b: {  	s15 =	smov.u32 s13;
	s12 =	smov.u32 s14;
	p1 =	sne.s32 s13, $0xF00  }
.Ltmp5:
0x3c: {  	s13 =	sadd.s32 $0x100, s13;
	(pc) =	sbr.rel @p1 .LBB2_7-.Ltmp5, $2  }
0x3d: {  	_ =	sdelay $0x2  }
0x3e: {  	s14 =	sadd.s32 $0x800, s14;
	s15 =	sadd.s32 s15, s11  }
.Ltmp6:
0x3f: {  	_ = 	snop;
	(pc) =	sbr.rel .LBB2_8-.Ltmp6, $1  }
0x40: {  	_ =	sdelay $0x3  }
.LBB2_10:
0x41: {  	_ =	sfence.sel $0x180000  }
0x42: {  	s2 =	simm.s32 $0x2;
	[bflag:$0x0] =	sbarrier.arrive $0xFFFF  }
0x43: {  	s30 =	simm.s32 $0x3;
	[sflag:s2] =	ssyncpa.u1 $0x1  }
0x44: {  	s31 =	simm.s32 $0x1;
	[sflag:s30] =	ssyncpa.u1 $0x1  }
0x45: {  	[sflag:s31] =	ssyncpa.u1 $0x1  }
0x46: {  	p0 =	sne.s32 s1, $0x0;
	_ =	strace $0x90000047  }
0x47: {  	s0 =	sadd.s32 @!p0 $0x100000, s0;
	[bflag:$0x2] =	sbarrier.arrive $0xFFFF  }
0x48: {  	[sflag:s0] =	ssyncadd.tile.s32 @!p0 $0x1;
	_ =	shalt  }
.Lfunc_end2:
_tile_overlayer_lowered:
.L_overlay_start_2:
0x49: {  	(tag) =	ssettag $0x2  }
0x4a: {  	s0 =	rddreg [dreg:$0x0];
	s2 =	stileid.u32  }
0x4b: {  	s1 =	rddreg [dreg:$0x1];
	p0 =	sne.s32 s2, $0x0  }
0x4c: {  	s3 =	rddreg [dreg:$0x2];
	[bflag:$0x3] =	sbarrier.arrive $0xFFFF;
	s2 =	simm.s32 @!p0 $0x1C01  }
0x4d: {  	[timem:s3], [sflag:s2] =	dma.local @!p0 [hbm:s0], s1  }
0x4e: {  	s0 =	simm.s32 @!p0 $0x1  }
0x4f: {  	_ =	swait.ge @!p0 [sflag:s0], s1  }
0x50: {  	s1 =	ssub.s32 @!p0 $0x0, s1;
	[sflag:s0] =	ssyncset.done @!p0 $0x0  }
0x51: {  	[sflag:s0] =	ssyncadd.s32 @!p0 s1  }
0x52: {  	[bflag:$0x3] =	sbarrier.arrive $0xFFFF  }
0x53: {  	_ =	shalt  }

</sc_bundles>
